<compile_context>
chip_gen: v7x
topology: tpu7x:2x2x1
jax: 0.10.2.dev20260603
libtpu: 0.0.44.dev20260713+nightly
codegen_flags: <defaults>
</compile_context>

<pallas_src>
import functools

import jax
import jax.numpy as jnp
from jax import lax
from jax.experimental import pallas as pl
from jax.experimental.pallas import tpu as pltpu
from jax.experimental.pallas import tpu_sc as plsc


def _sc_gather(table, idx3d, n_rows, d):
    info = plsc.get_sparse_core_info()
    nc, ns = info.num_cores, info.num_subcores
    nw = nc * ns
    rows_per_w = n_rows // nw
    idxrows_per_w = rows_per_w // 128
    group = 5
    n_groups = idxrows_per_w // group
    buf_rows = group * 128

    mesh = plsc.VectorSubcoreMesh(core_axis_name="c", subcore_axis_name="s")

    @functools.partial(
        pl.kernel,
        mesh=mesh,
        compiler_params=pltpu.CompilerParams(use_tc_tiling_on_sc=False),
        out_type=jax.ShapeDtypeStruct((n_rows, d), jnp.float32),
        scratch_types=[
            pltpu.VMEM((idxrows_per_w, 128), jnp.int32),
            pltpu.VMEM((buf_rows, d), jnp.float32),
            pltpu.SemaphoreType.DMA,
        ],
    )
    def k(table_hbm, idx_hbm, out_hbm, idx_v, rows_v, sem):
        wid = lax.axis_index("s") * nc + lax.axis_index("c")
        pltpu.sync_copy(idx_hbm.at[wid], idx_v)
        row_base = wid * rows_per_w

        def do_group(g, carry):
            handles = []
            for j in range(group):
                handles.append(pltpu.async_copy(
                    table_hbm.at[idx_v.at[g * group + j]],
                    rows_v.at[pl.ds(j * 128, 128)],
                    sem,
                ))
            for h in handles:
                h.wait()
            pltpu.sync_copy(rows_v,
                            out_hbm.at[pl.ds(row_base + g * buf_rows,
                                             buf_rows)])
            return carry

        lax.fori_loop(0, n_groups, do_group, 0)

    return k(table, idx3d)


def _tc_transpose_pad(wT, V, D):
    BLK = 16384
    grid = (pl.cdiv(V, BLK),)

    def body(x_ref, out_ref):
        out_ref[:, 0:D] = x_ref[...].T
        out_ref[:, D:2 * D] = jnp.zeros((BLK, D), jnp.float32)

    return pl.pallas_call(
        body,
        grid=grid,
        in_specs=[pl.BlockSpec((D, BLK), lambda i: (0, i))],
        out_specs=pl.BlockSpec((BLK, 2 * D), lambda i: (i, 0)),
        out_shape=jax.ShapeDtypeStruct((V, 2 * D), jnp.float32),
    )(wT)


def _tc_dense(xg, t, mask_table, Wb0, bh0p, bz0p, Wb1, bh1p, bz1p,
              Wae, battp, bembp, Woutp, boutp, B, L, D, C):
    BB = 256
    P = BB * L
    grid = (B // BB,)
    f32 = jnp.float32

    def body(x_ref, t_ref, mt_ref, wb0, bh0_, bz0_, wb1, bh1_,
             bz1_, wae, batt_, bemb_, wout, bout, out_ref):
        gate = jax.nn.sigmoid(mt_ref[...])
        g0 = jnp.concatenate([gate[0:1]] * 2, axis=1)
        g10 = jnp.concatenate([gate[1:2] - gate[0:1]] * 2, axis=1)
        lane = lax.broadcasted_iota(jnp.int32, (1, 2 * D), 1)
        x = jnp.where(lane < D,
                      x_ref[...] * (g0 + t_ref[...] * g10),
                      0.0)
        for wb, bh, bz in ((wb0, bh0_, bz0_), (wb1, bh1_, bz1_)):
            hz = jnp.dot(x.astype(jnp.bfloat16), wb[...],
                         preferred_element_type=f32)
            h = jnp.tanh(hz[:, 0:2 * D] + bh[...])
            z = jax.nn.sigmoid(hz[:, 2 * D:4 * D] + bz[...])
            x = h * z + x * (1.0 - z)
        ae = jnp.dot(x.astype(jnp.bfloat16), wae[...],
                     preferred_element_type=f32)
        att = jax.nn.sigmoid(ae[:, 0:2 * D] + batt_[...])
        emb = jnp.tanh(ae[:, 2 * D:4 * D] + bemb_[...])
        g = (att * emb).reshape(BB, L, 2 * D)
        pooled = (jnp.sum(g, axis=1) * (1.0 / L)
                  + jnp.max(g, axis=1))
        out_ref[...] = (
            jnp.dot(pooled, wout[...], preferred_element_type=f32)
            + bout[...])

    full = lambda shape: pl.BlockSpec(shape, lambda i: (0,) * len(shape))
    return pl.pallas_call(
        body,
        grid=grid,
        in_specs=[
            pl.BlockSpec((P, 2 * D), lambda i: (i, 0)),
            pl.BlockSpec((P, 1), lambda i: (i, 0)),
            full((2, D)),
            full((2 * D, 4 * D)), full((1, 2 * D)), full((1, 2 * D)),
            full((2 * D, 4 * D)), full((1, 2 * D)), full((1, 2 * D)),
            full((2 * D, 4 * D)), full((1, 2 * D)), full((1, 2 * D)),
            full((2 * D, C)), full((1, C)),
        ],
        out_specs=pl.BlockSpec((BB, C), lambda i: (i, 0)),
        out_shape=jax.ShapeDtypeStruct((B, C), jnp.float32),
    )(xg, t, mask_table, Wb0, bh0p, bz0p, Wb1, bh1p, bz1p,
      Wae, battp, bembp, Woutp, boutp)


def kernel(words2ids, w_mask, paris_mat, w_table, mask_table, Wh0, bh0,
           Wz0, bz0, Wh1, bh1, Wz1, bz1, W_att, b_att, W_emb, b_emb,
           W_out, b_out):
    B, L = words2ids.shape
    V, D = w_table.shape
    C = W_out.shape[1]
    n = B * L
    wpad = _tc_transpose_pad(w_table.T, V, D)
    idx = words2ids.astype(jnp.int32).reshape(n)
    msel = (w_mask >= 1).astype(jnp.float32).reshape(n, 1)
    z = jnp.zeros((D, D), jnp.float32)
    zr = jnp.zeros((D, 4 * D), jnp.float32)

    def wide(wa, wb):
        top = jnp.concatenate([wa, z, wb, z], axis=1)
        return jnp.concatenate([top, zr], axis=0).astype(jnp.bfloat16)

    pad1 = lambda v: jnp.concatenate([v, jnp.zeros((D,), jnp.float32)]
                                     ).reshape(1, 2 * D)
    wargs = (wide(Wh0, Wz0), pad1(bh0), pad1(bz0),
             wide(Wh1, Wz1), pad1(bh1), pad1(bz1),
             wide(W_att, W_emb), pad1(b_att), pad1(b_emb),
             jnp.concatenate([W_out, jnp.zeros((D, C), jnp.float32)],
                             axis=0),
             b_out.reshape(1, C))
    idx3d = idx.reshape(32, n // (32 * 128), 128)
    gath = _sc_gather(wpad, idx3d, n, 2 * D)
    return _tc_dense(gath, msel, mask_table, *wargs, B, L, D, C)

# --- scband reference (transcript-rebuilt; emitter-appended) ---
"""Pipeline reference for scband-text-ing-39307540693130 (READ-ONLY COPY).

The authoritative reference and input builder live on the scoring server;
editing this copy changes nothing except your own understanding.
"""

import jax, jax.numpy as jnp
import numpy as np

B, L, D, V, C = 4096, 50, 64, 1000000, 10

def setup_inputs(seed: int = 0):
    key = jax.random.key(seed)
    ks = jax.random.split(key, 12)
    s = 1.0 / np.sqrt(D)
    inp = {}
    inp['words2ids'] = jax.random.randint(ks[0], (B, L), 0, V)
    inp['w_mask'] = jax.random.randint(ks[1], (B, L), 0, 2)
    inp['paris_mat'] = jax.random.normal(ks[2], (B, L, L), dtype=jnp.float32)
    inp['w_table'] = jax.random.normal(ks[3], (V, D), dtype=jnp.float32) * 0.02
    inp['mask_table'] = jax.random.normal(ks[4], (2, D), dtype=jnp.float32) * 0.02
    inp['Wh0'] = jax.random.uniform(ks[5], (D, D), minval=-s, maxval=s)
    inp['bh0'] = jnp.zeros((D,), dtype=jnp.float32)
    inp['Wz0'] = jax.random.uniform(ks[6], (D, D), minval=-s, maxval=s)
    inp['bz0'] = jnp.zeros((D,), dtype=jnp.float32)
    inp['Wh1'] = jax.random.uniform(ks[7], (D, D), minval=-s, maxval=s)
    inp['bh1'] = jnp.zeros((D,), dtype=jnp.float32)
    inp['Wz1'] = jax.random.uniform(ks[8], (D, D), minval=-s, maxval=s)
    inp['bz1'] = jnp.zeros((D,), dtype=jnp.float32)
    inp['W_att'] = jax.random.uniform(ks[9], (D, D), minval=-s, maxval=s)
    inp['b_att'] = jnp.zeros((D,), dtype=jnp.float32)
    inp['W_emb'] = jax.random.uniform(ks[10], (D, D), minval=-s, maxval=s)
    inp['b_emb'] = jnp.zeros((D,), dtype=jnp.float32)
    inp['W_out'] = jax.random.uniform(ks[11], (D, C), minval=-s, maxval=s)
    inp['b_out'] = jnp.zeros((C,), dtype=jnp.float32)
    return inp

def reference(words2ids, w_mask, paris_mat, w_table, mask_table, Wh0, bh0, Wz0, bz0, Wh1, bh1, Wz1, bz1, W_att, b_att, W_emb, b_emb, W_out, b_out):
    # w_embedding lookup and gated mask embedding
    w_emb = jnp.take(w_table, words2ids, axis=0)
    m_emb = jnp.take(mask_table, w_mask, axis=0)
    x = w_emb * jax.nn.sigmoid(m_emb)
    # num_layers=2 gated GraphGNN layers (GGNN-style gated update, eval mode)
    for Wh, bh, Wz, bz in ((Wh0, bh0, Wz0, bz0), (Wh1, bh1, Wz1, bz1)):
        h = jnp.tanh(x @ Wh + bh)
        z = jax.nn.sigmoid(x @ Wz + bz)
        x = h * z + x * (1.0 - z)
    # ReadoutLayer: soft attention gate, mean+max pool, linear classifier
    att = jax.nn.sigmoid(x @ W_att + b_att)
    emb = jnp.tanh(x @ W_emb + b_emb)
    g = att * emb
    pooled = jnp.mean(g, axis=1) + jnp.max(g, axis=1)
    return pooled @ W_out + b_out

if __name__ == "__main__":
    import jax
    _d = setup_inputs()
    print(jax.jit(kernel)(*tuple(_d.values())))

</pallas_src>

<mosaic_0001>
#map = affine_map<(d0, d1) -> (0, 0)>
#map1 = affine_map<(d0, d1) -> (0, 0, 0)>
module attributes {stable_mosaic.version = 14 : i64} {
  func.func @k(%arg0: i32, %arg1: i32, %arg2: memref<1000000x128xf32, #tpu.memory_space<hbm>>, %arg3: memref<32x50x128xi32, #tpu.memory_space<hbm>>, %arg4: memref<204800x128xf32, #tpu.memory_space<hbm>>, %arg5: memref<50x128xi32, #tpu.memory_space<vmem>>, %arg6: memref<640x128xf32, #tpu.memory_space<vmem>>, %arg7: memref<!tpu.dma_semaphore, #tpu.memory_space<semaphore_mem>>) attributes {dimension_semantics = [#tpu.dimension_semantics<core_parallel>, #tpu.dimension_semantics<subcore_parallel>], iteration_bounds = array<i64: 2, 16>, scalar_prefetch = 0 : i64, scratch_operands = 3 : i64, tpu.core_type = #tpu.core_type<sc_vector_subcore>, window_params = [{transform_indices = #map}, {transform_indices = #map1}, {transform_indices = #map}]} {
    %mul3A = arith.constant 2 : i32
    %mul3A_0 = arith.muli %arg1, %mul3A : i32
    %add3A = arith.addi %mul3A_0, %arg0 : i32
    "tpu.region"() ({
      %run_scoped3A = tpu.sem_alloc : memref<!tpu.dma_semaphore, #tpu.memory_space<semaphore_mem>>
      %dma_start3A = arith.constant 0 : i32
      %dma_start3A_8 = arith.constant 0 : i32
      %dma_start3A_9 = tpu.memref_slice %arg3[%add3A, %dma_start3A, %dma_start3A_8] : memref<32x50x128xi32, #tpu.memory_space<hbm>> -> memref<1x50x128xi32, #tpu.memory_space<hbm>>
      %dma_start3A_10 = tpu.memref_squeeze %dma_start3A_9 : memref<1x50x128xi32, #tpu.memory_space<hbm>> -> memref<50x128xi32, #tpu.memory_space<hbm>>
      %dma_start3A_11 = arith.constant 0 : i32
      %dma_start3A_12 = arith.constant 0 : i32
      %dma_start3A_13 = tpu.memref_slice %arg3[%add3A, %dma_start3A_11, %dma_start3A_12] : memref<32x50x128xi32, #tpu.memory_space<hbm>> -> memref<1x50x128xi32, #tpu.memory_space<hbm>>
      %dma_start3A_14 = tpu.memref_squeeze %dma_start3A_13 : memref<1x50x128xi32, #tpu.memory_space<hbm>> -> memref<50x128xi32, #tpu.memory_space<hbm>>
      tpu.enqueue_dma source(%dma_start3A_14 : memref<50x128xi32, #tpu.memory_space<hbm>>) target(%arg5 : memref<50x128xi32, #tpu.memory_space<vmem>>) target_semaphore(%run_scoped3A : memref<!tpu.dma_semaphore, #tpu.memory_space<semaphore_mem>>)
      %dma_wait3A = arith.constant 0 : i32
      %dma_wait3A_15 = arith.constant 0 : i32
      %dma_wait3A_16 = tpu.memref_slice %arg3[%add3A, %dma_wait3A, %dma_wait3A_15] : memref<32x50x128xi32, #tpu.memory_space<hbm>> -> memref<1x50x128xi32, #tpu.memory_space<hbm>>
      %dma_wait3A_17 = tpu.memref_squeeze %dma_wait3A_16 : memref<1x50x128xi32, #tpu.memory_space<hbm>> -> memref<50x128xi32, #tpu.memory_space<hbm>>
      %dma_wait3A_18 = arith.constant 0 : i32
      %dma_wait3A_19 = arith.constant 0 : i32
      %dma_wait3A_20 = tpu.memref_slice %arg3[%add3A, %dma_wait3A_18, %dma_wait3A_19] : memref<32x50x128xi32, #tpu.memory_space<hbm>> -> memref<1x50x128xi32, #tpu.memory_space<hbm>>
      %dma_wait3A_21 = tpu.memref_squeeze %dma_wait3A_20 : memref<1x50x128xi32, #tpu.memory_space<hbm>> -> memref<50x128xi32, #tpu.memory_space<hbm>>
      tpu.wait_dma2 semaphore(%run_scoped3A : memref<!tpu.dma_semaphore, #tpu.memory_space<semaphore_mem>>) src(%dma_wait3A_21 : memref<50x128xi32, #tpu.memory_space<hbm>>) dst(%arg5 : memref<50x128xi32, #tpu.memory_space<vmem>>)
      tpu.yield
    }) : () -> ()
    %mul3A_1 = arith.constant 6400 : i32
    %mul3A_2 = arith.muli %add3A, %mul3A_1 : i32
    %scan3A = arith.constant 0 : i32
    %scan3A_3 = arith.constant 0 : i32
    %scan3A_4 = arith.constant 10 : i32
    %scan3A_5 = arith.addi %scan3A_3, %scan3A_4 : i32
    %scan3A_6 = arith.constant 1 : i32
    scf.for %scan3A_8 = %scan3A_3 to %scan3A_5 step %scan3A_6  : i32 {
      %mul3A_9 = arith.constant 5 : i32
      %mul3A_10 = arith.muli %scan3A_8, %mul3A_9 : i32
      %add3A_11 = arith.constant 0 : i32
      %add3A_12 = arith.addi %mul3A_10, %add3A_11 : i32
      %dma_start3A = arith.constant 0 : i32
      %dma_start3A_13 = arith.constant 0 : i32
      %dma_start3A_14 = tpu.memref_slice %arg6[%dma_start3A, %dma_start3A_13] : memref<640x128xf32, #tpu.memory_space<vmem>> -> memref<128x128xf32, #tpu.memory_space<vmem>>
      %dma_start3A_15 = arith.constant 0 : i32
      %dma_start3A_16 = tpu.memref_slice %arg5[%add3A_12, %dma_start3A_15] : memref<50x128xi32, #tpu.memory_space<vmem>> -> memref<1x128xi32, #tpu.memory_space<vmem>>
      %dma_start3A_17 = tpu.memref_squeeze %dma_start3A_16 : memref<1x128xi32, #tpu.memory_space<vmem>> -> memref<128xi32, #tpu.memory_space<vmem>>
      %dma_start3A_18 = arith.constant 0 : i32
      %dma_start3A_19 = arith.constant 0 : i32
      %dma_start3A_20 = tpu.memref_slice %arg2[%dma_start3A_18, %dma_start3A_19] : memref<1000000x128xf32, #tpu.memory_space<hbm>> -> memref<1000000x128xf32, #tpu.memory_space<hbm>>
      tpu.enqueue_indirect_dma source(%dma_start3A_20 : memref<1000000x128xf32, #tpu.memory_space<hbm>>) target(%dma_start3A_14 : memref<128x128xf32, #tpu.memory_space<vmem>>) offsets(%dma_start3A_17 : memref<128xi32, #tpu.memory_space<vmem>>) semaphore(%arg7 : memref<!tpu.dma_semaphore, #tpu.memory_space<semaphore_mem>>)
      %mul3A_21 = arith.constant 5 : i32
      %mul3A_22 = arith.muli %scan3A_8, %mul3A_21 : i32
      %add3A_23 = arith.constant 1 : i32
      %add3A_24 = arith.addi %mul3A_22, %add3A_23 : i32
      %dma_start3A_25 = arith.constant 128 : i32
      %dma_start3A_26 = arith.constant 0 : i32
      %dma_start3A_27 = tpu.memref_slice %arg6[%dma_start3A_25, %dma_start3A_26] : memref<640x128xf32, #tpu.memory_space<vmem>> -> memref<128x128xf32, #tpu.memory_space<vmem>>
      %dma_start3A_28 = arith.constant 0 : i32
      %dma_start3A_29 = tpu.memref_slice %arg5[%add3A_24, %dma_start3A_28] : memref<50x128xi32, #tpu.memory_space<vmem>> -> memref<1x128xi32, #tpu.memory_space<vmem>>
      %dma_start3A_30 = tpu.memref_squeeze %dma_start3A_29 : memref<1x128xi32, #tpu.memory_space<vmem>> -> memref<128xi32, #tpu.memory_space<vmem>>
      %dma_start3A_31 = arith.constant 0 : i32
      %dma_start3A_32 = arith.constant 0 : i32
      %dma_start3A_33 = tpu.memref_slice %arg2[%dma_start3A_31, %dma_start3A_32] : memref<1000000x128xf32, #tpu.memory_space<hbm>> -> memref<1000000x128xf32, #tpu.memory_space<hbm>>
      tpu.enqueue_indirect_dma source(%dma_start3A_33 : memref<1000000x128xf32, #tpu.memory_space<hbm>>) target(%dma_start3A_27 : memref<128x128xf32, #tpu.memory_space<vmem>>) offsets(%dma_start3A_30 : memref<128xi32, #tpu.memory_space<vmem>>) semaphore(%arg7 : memref<!tpu.dma_semaphore, #tpu.memory_space<semaphore_mem>>)
      %mul3A_34 = arith.constant 5 : i32
      %mul3A_35 = arith.muli %scan3A_8, %mul3A_34 : i32
      %add3A_36 = arith.constant 2 : i32
      %add3A_37 = arith.addi %mul3A_35, %add3A_36 : i32
      %dma_start3A_38 = arith.constant 256 : i32
      %dma_start3A_39 = arith.constant 0 : i32
      %dma_start3A_40 = tpu.memref_slice %arg6[%dma_start3A_38, %dma_start3A_39] : memref<640x128xf32, #tpu.memory_space<vmem>> -> memref<128x128xf32, #tpu.memory_space<vmem>>
      %dma_start3A_41 = arith.constant 0 : i32
      %dma_start3A_42 = tpu.memref_slice %arg5[%add3A_37, %dma_start3A_41] : memref<50x128xi32, #tpu.memory_space<vmem>> -> memref<1x128xi32, #tpu.memory_space<vmem>>
      %dma_start3A_43 = tpu.memref_squeeze %dma_start3A_42 : memref<1x128xi32, #tpu.memory_space<vmem>> -> memref<128xi32, #tpu.memory_space<vmem>>
      %dma_start3A_44 = arith.constant 0 : i32
      %dma_start3A_45 = arith.constant 0 : i32
      %dma_start3A_46 = tpu.memref_slice %arg2[%dma_start3A_44, %dma_start3A_45] : memref<1000000x128xf32, #tpu.memory_space<hbm>> -> memref<1000000x128xf32, #tpu.memory_space<hbm>>
      tpu.enqueue_indirect_dma source(%dma_start3A_46 : memref<1000000x128xf32, #tpu.memory_space<hbm>>) target(%dma_start3A_40 : memref<128x128xf32, #tpu.memory_space<vmem>>) offsets(%dma_start3A_43 : memref<128xi32, #tpu.memory_space<vmem>>) semaphore(%arg7 : memref<!tpu.dma_semaphore, #tpu.memory_space<semaphore_mem>>)
      %mul3A_47 = arith.constant 5 : i32
      %mul3A_48 = arith.muli %scan3A_8, %mul3A_47 : i32
      %add3A_49 = arith.constant 3 : i32
      %add3A_50 = arith.addi %mul3A_48, %add3A_49 : i32
      %dma_start3A_51 = arith.constant 384 : i32
      %dma_start3A_52 = arith.constant 0 : i32
      %dma_start3A_53 = tpu.memref_slice %arg6[%dma_start3A_51, %dma_start3A_52] : memref<640x128xf32, #tpu.memory_space<vmem>> -> memref<128x128xf32, #tpu.memory_space<vmem>>
      %dma_start3A_54 = arith.constant 0 : i32
      %dma_start3A_55 = tpu.memref_slice %arg5[%add3A_50, %dma_start3A_54] : memref<50x128xi32, #tpu.memory_space<vmem>> -> memref<1x128xi32, #tpu.memory_space<vmem>>
      %dma_start3A_56 = tpu.memref_squeeze %dma_start3A_55 : memref<1x128xi32, #tpu.memory_space<vmem>> -> memref<128xi32, #tpu.memory_space<vmem>>
      %dma_start3A_57 = arith.constant 0 : i32
      %dma_start3A_58 = arith.constant 0 : i32
      %dma_start3A_59 = tpu.memref_slice %arg2[%dma_start3A_57, %dma_start3A_58] : memref<1000000x128xf32, #tpu.memory_space<hbm>> -> memref<1000000x128xf32, #tpu.memory_space<hbm>>
      tpu.enqueue_indirect_dma source(%dma_start3A_59 : memref<1000000x128xf32, #tpu.memory_space<hbm>>) target(%dma_start3A_53 : memref<128x128xf32, #tpu.memory_space<vmem>>) offsets(%dma_start3A_56 : memref<128xi32, #tpu.memory_space<vmem>>) semaphore(%arg7 : memref<!tpu.dma_semaphore, #tpu.memory_space<semaphore_mem>>)
      %mul3A_60 = arith.constant 5 : i32
      %mul3A_61 = arith.muli %scan3A_8, %mul3A_60 : i32
      %add3A_62 = arith.constant 4 : i32
      %add3A_63 = arith.addi %mul3A_61, %add3A_62 : i32
      %dma_start3A_64 = arith.constant 512 : i32
      %dma_start3A_65 = arith.constant 0 : i32
      %dma_start3A_66 = tpu.memref_slice %arg6[%dma_start3A_64, %dma_start3A_65] : memref<640x128xf32, #tpu.memory_space<vmem>> -> memref<128x128xf32, #tpu.memory_space<vmem>>
      %dma_start3A_67 = arith.constant 0 : i32
      %dma_start3A_68 = tpu.memref_slice %arg5[%add3A_63, %dma_start3A_67] : memref<50x128xi32, #tpu.memory_space<vmem>> -> memref<1x128xi32, #tpu.memory_space<vmem>>
      %dma_start3A_69 = tpu.memref_squeeze %dma_start3A_68 : memref<1x128xi32, #tpu.memory_space<vmem>> -> memref<128xi32, #tpu.memory_space<vmem>>
      %dma_start3A_70 = arith.constant 0 : i32
      %dma_start3A_71 = arith.constant 0 : i32
      %dma_start3A_72 = tpu.memref_slice %arg2[%dma_start3A_70, %dma_start3A_71] : memref<1000000x128xf32, #tpu.memory_space<hbm>> -> memref<1000000x128xf32, #tpu.memory_space<hbm>>
      tpu.enqueue_indirect_dma source(%dma_start3A_72 : memref<1000000x128xf32, #tpu.memory_space<hbm>>) target(%dma_start3A_66 : memref<128x128xf32, #tpu.memory_space<vmem>>) offsets(%dma_start3A_69 : memref<128xi32, #tpu.memory_space<vmem>>) semaphore(%arg7 : memref<!tpu.dma_semaphore, #tpu.memory_space<semaphore_mem>>)
      %dma_wait3A = arith.constant 0 : i32
      %dma_wait3A_73 = arith.constant 0 : i32
      %dma_wait3A_74 = tpu.memref_slice %arg6[%dma_wait3A, %dma_wait3A_73] : memref<640x128xf32, #tpu.memory_space<vmem>> -> memref<128x128xf32, #tpu.memory_space<vmem>>
      %dma_wait3A_75 = arith.constant 0 : i32
      %dma_wait3A_76 = tpu.memref_slice %arg5[%add3A_12, %dma_wait3A_75] : memref<50x128xi32, #tpu.memory_space<vmem>> -> memref<1x128xi32, #tpu.memory_space<vmem>>
      %dma_wait3A_77 = tpu.memref_squeeze %dma_wait3A_76 : memref<1x128xi32, #tpu.memory_space<vmem>> -> memref<128xi32, #tpu.memory_space<vmem>>
      %dma_wait3A_78 = arith.constant 0 : i32
      %dma_wait3A_79 = arith.constant 0 : i32
      %dma_wait3A_80 = tpu.memref_slice %arg2[%dma_wait3A_78, %dma_wait3A_79] : memref<1000000x128xf32, #tpu.memory_space<hbm>> -> memref<1000000x128xf32, #tpu.memory_space<hbm>>
      tpu.wait_indirect_dma semaphore(%arg7 : memref<!tpu.dma_semaphore, #tpu.memory_space<semaphore_mem>>) src(%dma_wait3A_80 : memref<1000000x128xf32, #tpu.memory_space<hbm>>) dst(%dma_wait3A_74 : memref<128x128xf32, #tpu.memory_space<vmem>>)
      %dma_wait3A_81 = arith.constant 128 : i32
      %dma_wait3A_82 = arith.constant 0 : i32
      %dma_wait3A_83 = tpu.memref_slice %arg6[%dma_wait3A_81, %dma_wait3A_82] : memref<640x128xf32, #tpu.memory_space<vmem>> -> memref<128x128xf32, #tpu.memory_space<vmem>>
      %dma_wait3A_84 = arith.constant 0 : i32
      %dma_wait3A_85 = tpu.memref_slice %arg5[%add3A_24, %dma_wait3A_84] : memref<50x128xi32, #tpu.memory_space<vmem>> -> memref<1x128xi32, #tpu.memory_space<vmem>>
      %dma_wait3A_86 = tpu.memref_squeeze %dma_wait3A_85 : memref<1x128xi32, #tpu.memory_space<vmem>> -> memref<128xi32, #tpu.memory_space<vmem>>
      %dma_wait3A_87 = arith.constant 0 : i32
      %dma_wait3A_88 = arith.constant 0 : i32
      %dma_wait3A_89 = tpu.memref_slice %arg2[%dma_wait3A_87, %dma_wait3A_88] : memref<1000000x128xf32, #tpu.memory_space<hbm>> -> memref<1000000x128xf32, #tpu.memory_space<hbm>>
      tpu.wait_indirect_dma semaphore(%arg7 : memref<!tpu.dma_semaphore, #tpu.memory_space<semaphore_mem>>) src(%dma_wait3A_89 : memref<1000000x128xf32, #tpu.memory_space<hbm>>) dst(%dma_wait3A_83 : memref<128x128xf32, #tpu.memory_space<vmem>>)
      %dma_wait3A_90 = arith.constant 256 : i32
      %dma_wait3A_91 = arith.constant 0 : i32
      %dma_wait3A_92 = tpu.memref_slice %arg6[%dma_wait3A_90, %dma_wait3A_91] : memref<640x128xf32, #tpu.memory_space<vmem>> -> memref<128x128xf32, #tpu.memory_space<vmem>>
      %dma_wait3A_93 = arith.constant 0 : i32
      %dma_wait3A_94 = tpu.memref_slice %arg5[%add3A_37, %dma_wait3A_93] : memref<50x128xi32, #tpu.memory_space<vmem>> -> memref<1x128xi32, #tpu.memory_space<vmem>>
      %dma_wait3A_95 = tpu.memref_squeeze %dma_wait3A_94 : memref<1x128xi32, #tpu.memory_space<vmem>> -> memref<128xi32, #tpu.memory_space<vmem>>
      %dma_wait3A_96 = arith.constant 0 : i32
      %dma_wait3A_97 = arith.constant 0 : i32
      %dma_wait3A_98 = tpu.memref_slice %arg2[%dma_wait3A_96, %dma_wait3A_97] : memref<1000000x128xf32, #tpu.memory_space<hbm>> -> memref<1000000x128xf32, #tpu.memory_space<hbm>>
      tpu.wait_indirect_dma semaphore(%arg7 : memref<!tpu.dma_semaphore, #tpu.memory_space<semaphore_mem>>) src(%dma_wait3A_98 : memref<1000000x128xf32, #tpu.memory_space<hbm>>) dst(%dma_wait3A_92 : memref<128x128xf32, #tpu.memory_space<vmem>>)
      %dma_wait3A_99 = arith.constant 384 : i32
      %dma_wait3A_100 = arith.constant 0 : i32
      %dma_wait3A_101 = tpu.memref_slice %arg6[%dma_wait3A_99, %dma_wait3A_100] : memref<640x128xf32, #tpu.memory_space<vmem>> -> memref<128x128xf32, #tpu.memory_space<vmem>>
      %dma_wait3A_102 = arith.constant 0 : i32
      %dma_wait3A_103 = tpu.memref_slice %arg5[%add3A_50, %dma_wait3A_102] : memref<50x128xi32, #tpu.memory_space<vmem>> -> memref<1x128xi32, #tpu.memory_space<vmem>>
      %dma_wait3A_104 = tpu.memref_squeeze %dma_wait3A_103 : memref<1x128xi32, #tpu.memory_space<vmem>> -> memref<128xi32, #tpu.memory_space<vmem>>
      %dma_wait3A_105 = arith.constant 0 : i32
      %dma_wait3A_106 = arith.constant 0 : i32
      %dma_wait3A_107 = tpu.memref_slice %arg2[%dma_wait3A_105, %dma_wait3A_106] : memref<1000000x128xf32, #tpu.memory_space<hbm>> -> memref<1000000x128xf32, #tpu.memory_space<hbm>>
      tpu.wait_indirect_dma semaphore(%arg7 : memref<!tpu.dma_semaphore, #tpu.memory_space<semaphore_mem>>) src(%dma_wait3A_107 : memref<1000000x128xf32, #tpu.memory_space<hbm>>) dst(%dma_wait3A_101 : memref<128x128xf32, #tpu.memory_space<vmem>>)
      %dma_wait3A_108 = arith.constant 512 : i32
      %dma_wait3A_109 = arith.constant 0 : i32
      %dma_wait3A_110 = tpu.memref_slice %arg6[%dma_wait3A_108, %dma_wait3A_109] : memref<640x128xf32, #tpu.memory_space<vmem>> -> memref<128x128xf32, #tpu.memory_space<vmem>>
      %dma_wait3A_111 = arith.constant 0 : i32
      %dma_wait3A_112 = tpu.memref_slice %arg5[%add3A_63, %dma_wait3A_111] : memref<50x128xi32, #tpu.memory_space<vmem>> -> memref<1x128xi32, #tpu.memory_space<vmem>>
      %dma_wait3A_113 = tpu.memref_squeeze %dma_wait3A_112 : memref<1x128xi32, #tpu.memory_space<vmem>> -> memref<128xi32, #tpu.memory_space<vmem>>
      %dma_wait3A_114 = arith.constant 0 : i32
      %dma_wait3A_115 = arith.constant 0 : i32
      %dma_wait3A_116 = tpu.memref_slice %arg2[%dma_wait3A_114, %dma_wait3A_115] : memref<1000000x128xf32, #tpu.memory_space<hbm>> -> memref<1000000x128xf32, #tpu.memory_space<hbm>>
      tpu.wait_indirect_dma semaphore(%arg7 : memref<!tpu.dma_semaphore, #tpu.memory_space<semaphore_mem>>) src(%dma_wait3A_116 : memref<1000000x128xf32, #tpu.memory_space<hbm>>) dst(%dma_wait3A_110 : memref<128x128xf32, #tpu.memory_space<vmem>>)
      %mul3A_117 = arith.constant 640 : i32
      %mul3A_118 = arith.muli %scan3A_8, %mul3A_117 : i32
      %add3A_119 = arith.addi %mul3A_2, %mul3A_118 : i32
      "tpu.region"() ({
        %run_scoped3A = tpu.sem_alloc : memref<!tpu.dma_semaphore, #tpu.memory_space<semaphore_mem>>
        %dma_start3A_120 = arith.constant 0 : i32
        %dma_start3A_121 = tpu.memref_slice %arg4[%add3A_119, %dma_start3A_120] : memref<204800x128xf32, #tpu.memory_space<hbm>> -> memref<640x128xf32, #tpu.memory_space<hbm>>
        %dma_start3A_122 = arith.constant 0 : i32
        %dma_start3A_123 = tpu.memref_slice %arg4[%add3A_119, %dma_start3A_122] : memref<204800x128xf32, #tpu.memory_space<hbm>> -> memref<640x128xf32, #tpu.memory_space<hbm>>
        tpu.enqueue_dma source(%arg6 : memref<640x128xf32, #tpu.memory_space<vmem>>) target(%dma_start3A_123 : memref<640x128xf32, #tpu.memory_space<hbm>>) target_semaphore(%run_scoped3A : memref<!tpu.dma_semaphore, #tpu.memory_space<semaphore_mem>>)
        %dma_wait3A_124 = arith.constant 0 : i32
        %dma_wait3A_125 = tpu.memref_slice %arg4[%add3A_119, %dma_wait3A_124] : memref<204800x128xf32, #tpu.memory_space<hbm>> -> memref<640x128xf32, #tpu.memory_space<hbm>>
        %dma_wait3A_126 = arith.constant 0 : i32
        %dma_wait3A_127 = tpu.memref_slice %arg4[%add3A_119, %dma_wait3A_126] : memref<204800x128xf32, #tpu.memory_space<hbm>> -> memref<640x128xf32, #tpu.memory_space<hbm>>
        tpu.wait_dma2 semaphore(%run_scoped3A : memref<!tpu.dma_semaphore, #tpu.memory_space<semaphore_mem>>) src(%arg6 : memref<640x128xf32, #tpu.memory_space<vmem>>) dst(%dma_wait3A_127 : memref<640x128xf32, #tpu.memory_space<hbm>>)
        tpu.yield
      }) : () -> ()
    }
    %scan3A_7 = arith.constant 10 : i32
    return
  }
}

module attributes {stable_mosaic.version = 14 : i64} {
  func.func @body(%arg0: i32, %arg1: memref<64x16384xf32, #tpu.memory_space<vmem>>, %arg2: memref<16384x128xf32, #tpu.memory_space<vmem>>) attributes {dimension_semantics = [#tpu.dimension_semantics<arbitrary>], iteration_bounds = array<i64: 62>, scalar_prefetch = 0 : i64, scratch_operands = 0 : i64, tpu.core_type = #tpu.core_type<tc>, window_params = [{transform_indices = @transform_0, window_bounds = array<i64: 64, 16384>}, {transform_indices = @transform_1, window_bounds = array<i64: 16384, 128>}]} {
    %get3A = arith.constant 0 : index
    %get3A_0 = arith.constant 0 : index
    %get3A_1 = vector.load %arg1[%get3A, %get3A_0] : memref<64x16384xf32, #tpu.memory_space<vmem>>, vector<64x16384xf32>
    %transpose3A = tpu.transpose %get3A_1, [1, 0] : vector<64x16384xf32> -> vector<16384x64xf32>
    %swap3A = arith.constant 0 : index
    %swap3A_2 = arith.constant 0 : index
    %swap3A_3 = vector.load %arg2[%swap3A, %swap3A_2] : memref<16384x128xf32, #tpu.memory_space<vmem>>, vector<16384x64xf32>
    tpu.vector_store %arg2[%swap3A, %swap3A_2], %transpose3A {strides = array<i32>} : memref<16384x128xf32, #tpu.memory_space<vmem>>, vector<16384x64xf32>,
    %broadcast_in_dim3A = arith.constant 0.000000e+00 : f32
    %broadcast_in_dim3A_4 = vector.broadcast %broadcast_in_dim3A : f32 to vector<16384x64xf32>
    %swap3A_5 = arith.constant 0 : index
    %swap3A_6 = arith.constant 64 : index
    %swap3A_7 = vector.load %arg2[%swap3A_5, %swap3A_6] : memref<16384x128xf32, #tpu.memory_space<vmem>>, vector<16384x64xf32>
    tpu.vector_store %arg2[%swap3A_5, %swap3A_6], %broadcast_in_dim3A_4 {strides = array<i32>} : memref<16384x128xf32, #tpu.memory_space<vmem>>, vector<16384x64xf32>,
    return
  }
  func.func @transform_0(%arg0: i32) -> (i32, i32) {
    %c0_i32 = arith.constant 0 : i32
    %c0_i32_0 = arith.constant 0 : i32
    return %c0_i32, %arg0 : i32, i32
  }
  func.func @transform_1(%arg0: i32) -> (i32, i32) {
    %c0_i32 = arith.constant 0 : i32
    %c0_i32_0 = arith.constant 0 : i32
    return %arg0, %c0_i32 : i32, i32
  }
}

module attributes {stable_mosaic.version = 14 : i64} {
  func.func @body(%arg0: i32, %arg1: memref<12800x128xf32, #tpu.memory_space<vmem>>, %arg2: memref<12800x1xf32, #tpu.memory_space<vmem>>, %arg3: memref<2x64xf32, #tpu.memory_space<vmem>>, %arg4: memref<128x256xbf16, #tpu.memory_space<vmem>>, %arg5: memref<1x128xf32, #tpu.memory_space<vmem>>, %arg6: memref<1x128xf32, #tpu.memory_space<vmem>>, %arg7: memref<128x256xbf16, #tpu.memory_space<vmem>>, %arg8: memref<1x128xf32, #tpu.memory_space<vmem>>, %arg9: memref<1x128xf32, #tpu.memory_space<vmem>>, %arg10: memref<128x256xbf16, #tpu.memory_space<vmem>>, %arg11: memref<1x128xf32, #tpu.memory_space<vmem>>, %arg12: memref<1x128xf32, #tpu.memory_space<vmem>>, %arg13: memref<128x10xf32, #tpu.memory_space<vmem>>, %arg14: memref<1x10xf32, #tpu.memory_space<vmem>>, %arg15: memref<256x10xf32, #tpu.memory_space<vmem>>) attributes {dimension_semantics = [#tpu.dimension_semantics<arbitrary>], iteration_bounds = array<i64: 16>, scalar_prefetch = 0 : i64, scratch_operands = 0 : i64, tpu.core_type = #tpu.core_type<tc>, window_params = [{transform_indices = @transform_0, window_bounds = array<i64: 12800, 128>}, {transform_indices = @transform_1, window_bounds = array<i64: 12800, 1>}, {pipeline_mode = #tpu.pipeline_mode<synchronous>, transform_indices = @transform_2, window_bounds = array<i64: 2, 64>}, {pipeline_mode = #tpu.pipeline_mode<synchronous>, transform_indices = @transform_3, window_bounds = array<i64: 128, 256>}, {pipeline_mode = #tpu.pipeline_mode<synchronous>, transform_indices = @transform_4, window_bounds = array<i64: 1, 128>}, {pipeline_mode = #tpu.pipeline_mode<synchronous>, transform_indices = @transform_5, window_bounds = array<i64: 1, 128>}, {pipeline_mode = #tpu.pipeline_mode<synchronous>, transform_indices = @transform_6, window_bounds = array<i64: 128, 256>}, {pipeline_mode = #tpu.pipeline_mode<synchronous>, transform_indices = @transform_7, window_bounds = array<i64: 1, 128>}, {pipeline_mode = #tpu.pipeline_mode<synchronous>, transform_indices = @transform_8, window_bounds = array<i64: 1, 128>}, {pipeline_mode = #tpu.pipeline_mode<synchronous>, transform_indices = @transform_9, window_bounds = array<i64: 128, 256>}, {pipeline_mode = #tpu.pipeline_mode<synchronous>, transform_indices = @transform_10, window_bounds = array<i64: 1, 128>}, {pipeline_mode = #tpu.pipeline_mode<synchronous>, transform_indices = @transform_11, window_bounds = array<i64: 1, 128>}, {pipeline_mode = #tpu.pipeline_mode<synchronous>, transform_indices = @transform_12, window_bounds = array<i64: 128, 10>}, {pipeline_mode = #tpu.pipeline_mode<synchronous>, transform_indices = @transform_13, window_bounds = array<i64: 1, 10>}, {transform_indices = @transform_14, window_bounds = array<i64: 256, 10>}]} {
    %get3A = arith.constant 0 : index
    %get3A_0 = arith.constant 0 : index
    %get3A_1 = vector.load %arg3[%get3A, %get3A_0] : memref<2x64xf32, #tpu.memory_space<vmem>>, vector<2x64xf32>
    %logistic3A = arith.negf %get3A_1 : vector<2x64xf32>
    %logistic3A_2 = math.exp %logistic3A : vector<2x64xf32>
    %logistic3A_3 = arith.constant 1.000000e+00 : f32
    %logistic3A_4 = vector.broadcast %logistic3A_3 : f32 to vector<2x64xf32>
    %logistic3A_5 = arith.addf %logistic3A_4, %logistic3A_2 : vector<2x64xf32>
    %logistic3A_6 = arith.divf %logistic3A_4, %logistic3A_5 : vector<2x64xf32>
    %slice3A = vector.extract_strided_slice %logistic3A_6 {offsets = [0, 0], sizes = [1, 64], strides = [1, 1]} : vector<2x64xf32> to vector<1x64xf32>
    %concatenate3A = tpu.concatenate %slice3A, %slice3A in 1 : vector<1x64xf32>, vector<1x64xf32> -> vector<1x128xf32>
    %slice3A_7 = vector.extract_strided_slice %logistic3A_6 {offsets = [1, 0], sizes = [1, 64], strides = [1, 1]} : vector<2x64xf32> to vector<1x64xf32>
    %slice3A_8 = vector.extract_strided_slice %logistic3A_6 {offsets = [0, 0], sizes = [1, 64], strides = [1, 1]} : vector<2x64xf32> to vector<1x64xf32>
    %sub3A = arith.subf %slice3A_7, %slice3A_8 : vector<1x64xf32>
    %concatenate3A_9 = tpu.concatenate %sub3A, %sub3A in 1 : vector<1x64xf32>, vector<1x64xf32> -> vector<1x128xf32>
    %iota3A = tpu.iota {dimensions = array<i32: 1>} : vector<1x128xi32>
    %lt3A = arith.constant 64 : i32
    %lt3A_10 = vector.broadcast %lt3A : i32 to vector<1x128xi32>
    %lt3A_11 = arith.cmpi slt, %iota3A, %lt3A_10 : vector<1x128xi32>
    %get3A_12 = arith.constant 0 : index
    %get3A_13 = arith.constant 0 : index
    %get3A_14 = vector.load %arg1[%get3A_12, %get3A_13] : memref<12800x128xf32, #tpu.memory_space<vmem>>, vector<12800x128xf32>
    %get3A_15 = arith.constant 0 : index
    %get3A_16 = arith.constant 0 : index
    %get3A_17 = vector.load %arg2[%get3A_15, %get3A_16] : memref<12800x1xf32, #tpu.memory_space<vmem>>, vector<12800x1xf32>
    %mul3A = vector.broadcast %get3A_17 : vector<12800x1xf32> to vector<12800x128xf32>
    %mul3A_18 = vector.broadcast %concatenate3A_9 : vector<1x128xf32> to vector<12800x128xf32>
    %mul3A_19 = arith.mulf %mul3A, %mul3A_18 : vector<12800x128xf32>
    %add3A = vector.broadcast %concatenate3A : vector<1x128xf32> to vector<12800x128xf32>
    %add3A_20 = arith.addf %add3A, %mul3A_19 : vector<12800x128xf32>
    %mul3A_21 = arith.mulf %get3A_14, %add3A_20 : vector<12800x128xf32>
    %jit3A = arith.constant 0.000000e+00 : f32
    %broadcast_in_dim3A = vector.shape_cast %lt3A_11 : vector<1x128xi1> to vector<1x128xi1>
    %broadcast_in_dim3A_22 = vector.broadcast %broadcast_in_dim3A : vector<1x128xi1> to vector<12800x128xi1>
    %broadcast_in_dim3A_23 = vector.broadcast %jit3A : f32 to vector<12800x128xf32>
    %select_n3A = arith.select %broadcast_in_dim3A_22, %mul3A_21, %broadcast_in_dim3A_23 : vector<12800x128xi1>, vector<12800x128xf32>
    %convert_element_type3A = arith.truncf %select_n3A : vector<12800x128xf32> to vector<12800x128xbf16>
    %get3A_24 = arith.constant 0 : index
    %get3A_25 = arith.constant 0 : index
    %get3A_26 = vector.load %arg4[%get3A_24, %get3A_25] : memref<128x256xbf16, #tpu.memory_space<vmem>>, vector<128x256xbf16>
    %dot_general3A = arith.constant dense<0.000000e+00> : vector<12800x256xf32>
    %dot_general3A_27 = tpu.matmul %convert_element_type3A, %get3A_26, %dot_general3A {dimension_numbers = #tpu.dot_dimension_numbers<[1], [0], [0], [1], [0, 0, 1, 1], [], []>, transpose_lhs_hint = false} : vector<12800x128xbf16>, vector<128x256xbf16>, vector<12800x256xf32> -> vector<12800x256xf32>
    %slice3A_28 = vector.extract_strided_slice %dot_general3A_27 {offsets = [0, 0], sizes = [12800, 128], strides = [1, 1]} : vector<12800x256xf32> to vector<12800x128xf32>
    %get3A_29 = arith.constant 0 : index
    %get3A_30 = arith.constant 0 : index
    %get3A_31 = vector.load %arg5[%get3A_29, %get3A_30] : memref<1x128xf32, #tpu.memory_space<vmem>>, vector<1x128xf32>
    %add3A_32 = vector.broadcast %get3A_31 : vector<1x128xf32> to vector<12800x128xf32>
    %add3A_33 = arith.addf %slice3A_28, %add3A_32 : vector<12800x128xf32>
    %tanh3A = math.tanh %add3A_33 : vector<12800x128xf32>
    %slice3A_34 = vector.extract_strided_slice %dot_general3A_27 {offsets = [0, 128], sizes = [12800, 128], strides = [1, 1]} : vector<12800x256xf32> to vector<12800x128xf32>
    %get3A_35 = arith.constant 0 : index
    %get3A_36 = arith.constant 0 : index
    %get3A_37 = vector.load %arg6[%get3A_35, %get3A_36] : memref<1x128xf32, #tpu.memory_space<vmem>>, vector<1x128xf32>
    %add3A_38 = vector.broadcast %get3A_37 : vector<1x128xf32> to vector<12800x128xf32>
    %add3A_39 = arith.addf %slice3A_34, %add3A_38 : vector<12800x128xf32>
    %logistic3A_40 = arith.negf %add3A_39 : vector<12800x128xf32>
    %logistic3A_41 = math.exp %logistic3A_40 : vector<12800x128xf32>
    %logistic3A_42 = arith.constant 1.000000e+00 : f32
    %logistic3A_43 = vector.broadcast %logistic3A_42 : f32 to vector<12800x128xf32>
    %logistic3A_44 = arith.addf %logistic3A_43, %logistic3A_41 : vector<12800x128xf32>
    %logistic3A_45 = arith.divf %logistic3A_43, %logistic3A_44 : vector<12800x128xf32>
    %mul3A_46 = arith.mulf %tanh3A, %logistic3A_45 : vector<12800x128xf32>
    %sub3A_47 = arith.constant 1.000000e+00 : f32
    %sub3A_48 = vector.broadcast %sub3A_47 : f32 to vector<12800x128xf32>
    %sub3A_49 = arith.subf %sub3A_48, %logistic3A_45 : vector<12800x128xf32>
    %mul3A_50 = arith.mulf %select_n3A, %sub3A_49 : vector<12800x128xf32>
    %add3A_51 = arith.addf %mul3A_46, %mul3A_50 : vector<12800x128xf32>
    %convert_element_type3A_52 = arith.truncf %add3A_51 : vector<12800x128xf32> to vector<12800x128xbf16>
    %get3A_53 = arith.constant 0 : index
    %get3A_54 = arith.constant 0 : index
    %get3A_55 = vector.load %arg7[%get3A_53, %get3A_54] : memref<128x256xbf16, #tpu.memory_space<vmem>>, vector<128x256xbf16>
    %dot_general3A_56 = arith.constant dense<0.000000e+00> : vector<12800x256xf32>
    %dot_general3A_57 = tpu.matmul %convert_element_type3A_52, %get3A_55, %dot_general3A_56 {dimension_numbers = #tpu.dot_dimension_numbers<[1], [0], [0], [1], [0, 0, 1, 1], [], []>, transpose_lhs_hint = false} : vector<12800x128xbf16>, vector<128x256xbf16>, vector<12800x256xf32> -> vector<12800x256xf32>
    %slice3A_58 = vector.extract_strided_slice %dot_general3A_57 {offsets = [0, 0], sizes = [12800, 128], strides = [1, 1]} : vector<12800x256xf32> to vector<12800x128xf32>
    %get3A_59 = arith.constant 0 : index
    %get3A_60 = arith.constant 0 : index
    %get3A_61 = vector.load %arg8[%get3A_59, %get3A_60] : memref<1x128xf32, #tpu.memory_space<vmem>>, vector<1x128xf32>
    %add3A_62 = vector.broadcast %get3A_61 : vector<1x128xf32> to vector<12800x128xf32>
    %add3A_63 = arith.addf %slice3A_58, %add3A_62 : vector<12800x128xf32>
    %tanh3A_64 = math.tanh %add3A_63 : vector<12800x128xf32>
    %slice3A_65 = vector.extract_strided_slice %dot_general3A_57 {offsets = [0, 128], sizes = [12800, 128], strides = [1, 1]} : vector<12800x256xf32> to vector<12800x128xf32>
    %get3A_66 = arith.constant 0 : index
    %get3A_67 = arith.constant 0 : index
    %get3A_68 = vector.load %arg9[%get3A_66, %get3A_67] : memref<1x128xf32, #tpu.memory_space<vmem>>, vector<1x128xf32>
    %add3A_69 = vector.broadcast %get3A_68 : vector<1x128xf32> to vector<12800x128xf32>
    %add3A_70 = arith.addf %slice3A_65, %add3A_69 : vector<12800x128xf32>
    %logistic3A_71 = arith.negf %add3A_70 : vector<12800x128xf32>
    %logistic3A_72 = math.exp %logistic3A_71 : vector<12800x128xf32>
    %logistic3A_73 = arith.constant 1.000000e+00 : f32
    %logistic3A_74 = vector.broadcast %logistic3A_73 : f32 to vector<12800x128xf32>
    %logistic3A_75 = arith.addf %logistic3A_74, %logistic3A_72 : vector<12800x128xf32>
    %logistic3A_76 = arith.divf %logistic3A_74, %logistic3A_75 : vector<12800x128xf32>
    %mul3A_77 = arith.mulf %tanh3A_64, %logistic3A_76 : vector<12800x128xf32>
    %sub3A_78 = arith.constant 1.000000e+00 : f32
    %sub3A_79 = vector.broadcast %sub3A_78 : f32 to vector<12800x128xf32>
    %sub3A_80 = arith.subf %sub3A_79, %logistic3A_76 : vector<12800x128xf32>
    %mul3A_81 = arith.mulf %add3A_51, %sub3A_80 : vector<12800x128xf32>
    %add3A_82 = arith.addf %mul3A_77, %mul3A_81 : vector<12800x128xf32>
    %convert_element_type3A_83 = arith.truncf %add3A_82 : vector<12800x128xf32> to vector<12800x128xbf16>
    %get3A_84 = arith.constant 0 : index
    %get3A_85 = arith.constant 0 : index
    %get3A_86 = vector.load %arg10[%get3A_84, %get3A_85] : memref<128x256xbf16, #tpu.memory_space<vmem>>, vector<128x256xbf16>
    %dot_general3A_87 = arith.constant dense<0.000000e+00> : vector<12800x256xf32>
    %dot_general3A_88 = tpu.matmul %convert_element_type3A_83, %get3A_86, %dot_general3A_87 {dimension_numbers = #tpu.dot_dimension_numbers<[1], [0], [0], [1], [0, 0, 1, 1], [], []>, transpose_lhs_hint = false} : vector<12800x128xbf16>, vector<128x256xbf16>, vector<12800x256xf32> -> vector<12800x256xf32>
    %slice3A_89 = vector.extract_strided_slice %dot_general3A_88 {offsets = [0, 0], sizes = [12800, 128], strides = [1, 1]} : vector<12800x256xf32> to vector<12800x128xf32>
    %get3A_90 = arith.constant 0 : index
    %get3A_91 = arith.constant 0 : index
    %get3A_92 = vector.load %arg11[%get3A_90, %get3A_91] : memref<1x128xf32, #tpu.memory_space<vmem>>, vector<1x128xf32>
    %add3A_93 = vector.broadcast %get3A_92 : vector<1x128xf32> to vector<12800x128xf32>
    %add3A_94 = arith.addf %slice3A_89, %add3A_93 : vector<12800x128xf32>
    %logistic3A_95 = arith.negf %add3A_94 : vector<12800x128xf32>
    %logistic3A_96 = math.exp %logistic3A_95 : vector<12800x128xf32>
    %logistic3A_97 = arith.constant 1.000000e+00 : f32
    %logistic3A_98 = vector.broadcast %logistic3A_97 : f32 to vector<12800x128xf32>
    %logistic3A_99 = arith.addf %logistic3A_98, %logistic3A_96 : vector<12800x128xf32>
    %logistic3A_100 = arith.divf %logistic3A_98, %logistic3A_99 : vector<12800x128xf32>
    %slice3A_101 = vector.extract_strided_slice %dot_general3A_88 {offsets = [0, 128], sizes = [12800, 128], strides = [1, 1]} : vector<12800x256xf32> to vector<12800x128xf32>
    %get3A_102 = arith.constant 0 : index
    %get3A_103 = arith.constant 0 : index
    %get3A_104 = vector.load %arg12[%get3A_102, %get3A_103] : memref<1x128xf32, #tpu.memory_space<vmem>>, vector<1x128xf32>
    %add3A_105 = vector.broadcast %get3A_104 : vector<1x128xf32> to vector<12800x128xf32>
    %add3A_106 = arith.addf %slice3A_101, %add3A_105 : vector<12800x128xf32>
    %tanh3A_107 = math.tanh %add3A_106 : vector<12800x128xf32>
    %mul3A_108 = arith.mulf %logistic3A_100, %tanh3A_107 : vector<12800x128xf32>
    %reshape3A = vector.shape_cast %mul3A_108 : vector<12800x128xf32> to vector<256x50x128xf32>
    %reduce_sum3A = arith.constant dense<0.000000e+00> : vector<256x128xf32>
    %reduce_sum3A_109 = vector.multi_reduction <add>, %reshape3A, %reduce_sum3A [1] : vector<256x50x128xf32> to vector<256x128xf32>
    %mul3A_110 = arith.constant 2.000000e-02 : f32
    %mul3A_111 = vector.broadcast %mul3A_110 : f32 to vector<256x128xf32>
    %mul3A_112 = arith.mulf %reduce_sum3A_109, %mul3A_111 : vector<256x128xf32>
    %reduce_max3A = arith.constant dense<0xFF800000> : vector<256x128xf32>
    %reduce_max3A_113 = vector.multi_reduction <maximumf>, %reshape3A, %reduce_max3A [1] : vector<256x50x128xf32> to vector<256x128xf32>
    %add3A_114 = arith.addf %mul3A_112, %reduce_max3A_113 : vector<256x128xf32>
    %get3A_115 = arith.constant 0 : index
    %get3A_116 = arith.constant 0 : index
    %get3A_117 = vector.load %arg13[%get3A_115, %get3A_116] : memref<128x10xf32, #tpu.memory_space<vmem>>, vector<128x10xf32>
    %dot_general3A_118 = arith.constant dense<0.000000e+00> : vector<256x10xf32>
    %dot_general3A_119 = tpu.matmul %add3A_114, %get3A_117, %dot_general3A_118 {dimension_numbers = #tpu.dot_dimension_numbers<[1], [0], [0], [1], [0, 0, 1, 1], [], []>, transpose_lhs_hint = false} : vector<256x128xf32>, vector<128x10xf32>, vector<256x10xf32> -> vector<256x10xf32>
    %get3A_120 = arith.constant 0 : index
    %get3A_121 = arith.constant 0 : index
    %get3A_122 = vector.load %arg14[%get3A_120, %get3A_121] : memref<1x10xf32, #tpu.memory_space<vmem>>, vector<1x10xf32>
    %add3A_123 = vector.broadcast %get3A_122 : vector<1x10xf32> to vector<256x10xf32>
    %add3A_124 = arith.addf %dot_general3A_119, %add3A_123 : vector<256x10xf32>
    %swap3A = arith.constant 0 : index
    %swap3A_125 = arith.constant 0 : index
    %swap3A_126 = vector.load %arg15[%swap3A, %swap3A_125] : memref<256x10xf32, #tpu.memory_space<vmem>>, vector<256x10xf32>
    tpu.vector_store %arg15[%swap3A, %swap3A_125], %add3A_124 {strides = array<i32>} : memref<256x10xf32, #tpu.memory_space<vmem>>, vector<256x10xf32>,
    return
  }
  func.func @transform_0(%arg0: i32) -> (i32, i32) {
    %c0_i32 = arith.constant 0 : i32
    %c0_i32_0 = arith.constant 0 : i32
    return %arg0, %c0_i32 : i32, i32
  }
  func.func @transform_1(%arg0: i32) -> (i32, i32) {
    %c0_i32 = arith.constant 0 : i32
    %c0_i32_0 = arith.constant 0 : i32
    return %arg0, %c0_i32 : i32, i32
  }
  func.func @transform_2(%arg0: i32) -> (i32, i32) {
    %c0_i32 = arith.constant 0 : i32
    %c0_i32_0 = arith.constant 0 : i32
    %c0_i32_1 = arith.constant 0 : i32
    return %c0_i32, %c0_i32_0 : i32, i32
  }
  func.func @transform_3(%arg0: i32) -> (i32, i32) {
    %c0_i32 = arith.constant 0 : i32
    %c0_i32_0 = arith.constant 0 : i32
    %c0_i32_1 = arith.constant 0 : i32
    return %c0_i32, %c0_i32_0 : i32, i32
  }
  func.func @transform_4(%arg0: i32) -> (i32, i32) {
    %c0_i32 = arith.constant 0 : i32
    %c0_i32_0 = arith.constant 0 : i32
    %c0_i32_1 = arith.constant 0 : i32
    return %c0_i32, %c0_i32_0 : i32, i32
  }
  func.func @transform_5(%arg0: i32) -> (i32, i32) {
    %c0_i32 = arith.constant 0 : i32
    %c0_i32_0 = arith.constant 0 : i32
    %c0_i32_1 = arith.constant 0 : i32
    return %c0_i32, %c0_i32_0 : i32, i32
  }
  func.func @transform_6(%arg0: i32) -> (i32, i32) {
    %c0_i32 = arith.constant 0 : i32
    %c0_i32_0 = arith.constant 0 : i32
    %c0_i32_1 = arith.constant 0 : i32
    return %c0_i32, %c0_i32_0 : i32, i32
  }
  func.func @transform_7(%arg0: i32) -> (i32, i32) {
    %c0_i32 = arith.constant 0 : i32
    %c0_i32_0 = arith.constant 0 : i32
    %c0_i32_1 = arith.constant 0 : i32
    return %c0_i32, %c0_i32_0 : i32, i32
  }
  func.func @transform_8(%arg0: i32) -> (i32, i32) {
    %c0_i32 = arith.constant 0 : i32
    %c0_i32_0 = arith.constant 0 : i32
    %c0_i32_1 = arith.constant 0 : i32
    return %c0_i32, %c0_i32_0 : i32, i32
  }
  func.func @transform_9(%arg0: i32) -> (i32, i32) {
    %c0_i32 = arith.constant 0 : i32
    %c0_i32_0 = arith.constant 0 : i32
    %c0_i32_1 = arith.constant 0 : i32
    return %c0_i32, %c0_i32_0 : i32, i32
  }
  func.func @transform_10(%arg0: i32) -> (i32, i32) {
    %c0_i32 = arith.constant 0 : i32
    %c0_i32_0 = arith.constant 0 : i32
    %c0_i32_1 = arith.constant 0 : i32
    return %c0_i32, %c0_i32_0 : i32, i32
  }
  func.func @transform_11(%arg0: i32) -> (i32, i32) {
    %c0_i32 = arith.constant 0 : i32
    %c0_i32_0 = arith.constant 0 : i32
    %c0_i32_1 = arith.constant 0 : i32
    return %c0_i32, %c0_i32_0 : i32, i32
  }
  func.func @transform_12(%arg0: i32) -> (i32, i32) {
    %c0_i32 = arith.constant 0 : i32
    %c0_i32_0 = arith.constant 0 : i32
    %c0_i32_1 = arith.constant 0 : i32
    return %c0_i32, %c0_i32_0 : i32, i32
  }
  func.func @transform_13(%arg0: i32) -> (i32, i32) {
    %c0_i32 = arith.constant 0 : i32
    %c0_i32_0 = arith.constant 0 : i32
    %c0_i32_1 = arith.constant 0 : i32
    return %c0_i32, %c0_i32_0 : i32, i32
  }
  func.func @transform_14(%arg0: i32) -> (i32, i32) {
    %c0_i32 = arith.constant 0 : i32
    %c0_i32_0 = arith.constant 0 : i32
    return %arg0, %c0_i32 : i32, i32
  }
}

</mosaic_0001>

<sc_bundles>
// kernel: kernel.5.cloned.1.call-start
scs
__scs_entry_jumppad:
0x0: {  	(pc) =	sbr.rel $0x88, $3  }
0x1: {  	(tag) =	ssettag $0x0;
	lr =	simm.s32 $0x1  }
0x2: {  	[smem:$0x3F8F] =	sst lr;
	_ =	strace $0xD0000000  }
0x3: {  	_ = 	snop  }
0x4: {  	_ = 	snop  }
0x5: {  	_ = 	snop  }
0x6: {  	_ = 	snop  }
0x7: {  	_ = 	snop  }
__scs_overlays_trampoline_lowered:
0x8: {  	[smem:$0x3F9E] =	sst s0  }
0x9: {  	[smem:$0x3F9F] =	sst s1  }
0xa: {  	[smem:$0x3FA0] =	sst s2  }
0xb: {  	[smem:$0x3FA1] =	sst s3  }
0xc: {  	[smem:$0x3FA2] =	sst s4  }
0xd: {  	[smem:$0x3FA3] =	sst s5  }
0xe: {  	[smem:$0x3FA4] =	sst s6  }
0xf: {  	[smem:$0x3FA5] =	sst s7  }
0x10: {  	[smem:$0x3FA6] =	sst s8  }
0x11: {  	[smem:$0x3FA7] =	sst s9;
	s0 =	simm.s32 @!p0 $0x0  }
0x12: {  	s1 =	sld [smem:$0x3F8D];
	s0 =	simm.s32 @p0 $0x1  }
0x13: {  	[smem:$0x3FA8] =	sst s0;
	s0 =	simm.s32 @!p1 $0x0  }
0x14: {  	s2 =	sld [smem:$0x3F8C];
	s0 =	simm.s32 @p1 $0x1  }
0x15: {  	[smem:$0x3FA9] =	sst s0;
	s0 =	simm.s32 @!p2 $0x0  }
0x16: {  	s3 =	sld [smem:$0x3FDB];
	s0 =	simm.s32 @p2 $0x1  }
0x17: {  	s4 =	simm.s32 $0x1BF5;
	[smem:$0x3FAB] =	sst s0  }
0x18: {  	s0 =	sld [smem:$0x3F8E];
	_ =	swait.ge [sflag:s4], $0x0  }
0x19: {  	s7 =	sld [smem:$0x3F8F]  }
0x1a: {  	s8 =	sadd.s32 $0xFFFFE003, lr  }
0x1b: {  	s9 =	sadd.s32 $0xFFFFFEF7, lr;
	s5 =	simm.s32 $0xFFFFFFFF;
	p2 =	slt.u32 s8, $0xFFFFF086  }
0x1c: {  	p1 =	slt.u32 s9, $0xF7A;
	s5 =	simm.s32 @!p2 $0x0  }
0x1d: {  	s5 =	simm.s32 @p1 $0x1;
	p0 =	seq.s32 s7, s2  }
0x1e: {  	s7 =	smul.u32 @!p0 $0xF7A, s2;
	p2 =	seq.s32 @!p0 s5, $0x0  }
0x1f: {  	s9 =	smul.u32 $0xF7A, s1;
	s8 =	simm.s32 @!p0 $0x1BF5;
	p2 =	por !p2, p0  }
0x20: {  	[sflag:s8] =	ssyncset.s32 @!p0 $0xFFFFF086;
	s6 =	sadd.s32 @!p0 s3, s7;
	s7 =	simm.s32 @!p0 $0x108  }
0x21: {  	s3 =	sadd.s32 s3, s9;
	s6 =	sadd.s32 @!p0 $0x88, s6;
	s7 =	simm.s32 @p2 $0x1082  }
0x22: {  	[simem:s7], [sflag:s8] =	dma.local @!p0 [hbm:s6], $0xF7A  }
0x23: {  	s9 =	sor.u32 $0xD0000000, s2;
	s6 =	simm.s32 $0x108;
	_ =	swait.ge @!p0 [sflag:s8], $0x0  }
0x24: {  	s3 =	sadd.s32 $0x88, s3;
	s6 =	simm.s32 @!p1 $0x1082;
	[sflag:s4] =	ssyncset.s32 $0xFFFFF086  }
0x25: {  	[simem:s6], [sflag:s4] =	dma.local [hbm:s3], $0xF7A  }
0x26: {  	[smem:$0x3F8F] =	sst s1;
	(tag) =	ssettag s2;
	_ =	strace s9  }
0x27: {  	s1 =	sld [smem:$0x3F9F]  }
0x28: {  	s2 =	sld [smem:$0x3FA0]  }
0x29: {  	s4 =	sld [smem:$0x3FA2]  }
0x2a: {  	p0 =	seq.s32 s5, $0x0;
	s5 =	sld [smem:$0x3FA3]  }
0x2b: {  	s6 =	sld [smem:$0x3FA4]  }
0x2c: {  	s7 =	sld [smem:$0x3FA5]  }
0x2d: {  	s3 =	simm.s32 $0x108;
	s8 =	sld [smem:$0x3FA6]  }
0x2e: {  	s3 =	simm.s32 @!p0 $0x1082;
	s9 =	sld [smem:$0x3FA7]  }
0x2f: {  	lr =	sadd.s32 s0, s3;
	s0 =	sld [smem:$0x3F9E]  }
0x30: {  	s3 =	sld [smem:$0x3FA1]  }
0x31: {  	[smem:$0x3FAA] =	sst s10  }
0x32: {  	s10 =	sld [smem:$0x3FA8];
	_ =	sdelay $0x3  }
0x33: {  	p0 =	seq.s32 s10, $0x1;
	s10 =	sld [smem:$0x3FAA];
	_ =	sdelay $0x3  }
0x34: {  	[smem:$0x3FAA] =	sst s10  }
0x35: {  	s10 =	sld [smem:$0x3FA9];
	_ =	sdelay $0x3  }
0x36: {  	p1 =	seq.s32 s10, $0x1;
	s10 =	sld [smem:$0x3FAA];
	_ =	sdelay $0x3  }
0x37: {  	[smem:$0x3FAA] =	sst s10  }
0x38: {  	s10 =	sld [smem:$0x3FAB]  }
0x39: {  	_ = 	snop;
	(pc) =	sbr.ind lr, $3  }
0x3a: {  	_ = 	snop  }
0x3b: {  	_ = 	snop  }
0x3c: {  	p2 =	seq.s32 s10, $0x1;
	s10 =	sld [smem:$0x3FAA]  }
0x3d: {  	_ =	shalt  }
0x3e: {  	_ =	shalt  }
0x3f: {  	_ =	shalt  }
0x40: {  	_ =	shalt  }
0x41: {  	_ =	shalt  }
0x42: {  	_ =	shalt  }
0x43: {  	_ =	shalt  }
0x44: {  	_ =	shalt  }
0x45: {  	_ =	shalt  }
0x46: {  	_ =	shalt  }
0x47: {  	_ =	shalt  }
0x48: {  	_ =	shalt  }
0x49: {  	_ =	shalt  }
0x4a: {  	_ =	shalt  }
0x4b: {  	_ =	shalt  }
0x4c: {  	_ =	shalt  }
0x4d: {  	_ =	shalt  }
0x4e: {  	_ =	shalt  }
0x4f: {  	_ =	shalt  }
0x50: {  	_ =	shalt  }
0x51: {  	_ =	shalt  }
0x52: {  	_ =	shalt  }
0x53: {  	_ =	shalt  }
0x54: {  	_ =	shalt  }
0x55: {  	_ =	shalt  }
0x56: {  	_ =	shalt  }
0x57: {  	_ =	shalt  }
0x58: {  	_ =	shalt  }
0x59: {  	_ =	shalt  }
0x5a: {  	_ =	shalt  }
0x5b: {  	_ =	shalt  }
0x5c: {  	_ =	shalt  }
0x5d: {  	_ =	shalt  }
0x5e: {  	_ =	shalt  }
0x5f: {  	_ =	shalt  }
0x60: {  	_ =	shalt  }
0x61: {  	_ =	shalt  }
0x62: {  	_ =	shalt  }
0x63: {  	_ =	shalt  }
0x64: {  	_ =	shalt  }
0x65: {  	_ =	shalt  }
0x66: {  	_ =	shalt  }
0x67: {  	_ =	shalt  }
0x68: {  	_ =	shalt  }
0x69: {  	_ =	shalt  }
0x6a: {  	_ =	shalt  }
0x6b: {  	_ =	shalt  }
0x6c: {  	_ =	shalt  }
0x6d: {  	_ =	shalt  }
0x6e: {  	_ =	shalt  }
0x6f: {  	_ =	shalt  }
0x70: {  	_ =	shalt  }
0x71: {  	_ =	shalt  }
0x72: {  	_ =	shalt  }
0x73: {  	_ =	shalt  }
0x74: {  	_ =	shalt  }
0x75: {  	_ =	shalt  }
0x76: {  	_ =	shalt  }
0x77: {  	_ =	shalt  }
0x78: {  	_ =	shalt  }
0x79: {  	_ =	shalt  }
0x7a: {  	_ =	shalt  }
0x7b: {  	_ =	shalt  }
0x7c: {  	_ =	shalt  }
0x7d: {  	_ =	shalt  }
0x7e: {  	_ =	shalt  }
0x7f: {  	_ =	shalt  }
0x80: {  	_ =	shalt  }
0x81: {  	_ =	shalt  }
0x82: {  	_ =	shalt  }
0x83: {  	_ =	shalt  }
0x84: {  	_ =	shalt  }
0x85: {  	_ =	shalt  }
0x86: {  	_ =	shalt  }
0x87: {  	_ =	shalt  }
.Lfunc_end0:
.L_simem_size_0:
called_computation_lowered:
.L_overlay_start_0:
0x88: {  	s2 =	sld [smem:$0x3FD9]  }
0x89: {  	s3 =	sld [smem:$0x3FFE];
	_ =	sdelay $0x1  }
0x8a: {  	s1 =	srdreg.scid  }
0x8b: {  	s0 =	sand.u32 $0x1, s1  }
0x8c: {  	s16 =	sshll.u32 s0, $0xA;
	s2 =	sadd.s32 s3, s2  }
0x8d: {  	s2 =	sadd.s32 s2, s16  }
0x8e: {  	[smem:$0x3FB6] =	sst s2  }
0x8f: {  	_ = 	snop  }
0x90: {  	(tm) =	ssettm $0x1  }
0x91: {  	s17 =	sld [smem:$0x3FFB];
	_ =	sdelay $0x3  }
0x92: {  	_ =	strace s17  }
0x93: {  	s2 =	sld [smem:$0x3FFC];
	_ =	sdelay $0x3  }
0x94: {  	_ =	strace s2  }
0x95: {  	s2 =	sld [smem:$0x3FFD];
	_ =	sdelay $0x3  }
0x96: {  	_ =	strace s2  }
0x97: {  	_ =	strace $0x8FFFFFFF  }
0x98: {  	s18 =	sld [smem:$0x3FDB];
	_ =	sdelay $0x1  }
0x99: {  	s19 =	simm.s32 $_scs_section_size  }
0x9a: {  	s4 =	simm.s32 $_size__tile_overlayer_lowered;
	s5 =	simm.s32 $_tile_overlayer_lowered  }
0x9b: {  	s22 =	simm.s32 $0x1BFF;
	s21 =	sshll.u32 s5, $0x1;
	s2 =	sadd.s32 s19, s18  }
0x9c: {  	s6 =	simm.s32 $0x0;
	s20 =	sshll.u32 s4, $0x1;
	s4 =	sadd.s32 s21, s2  }
0x9d: {  	[timem:s6], [sflag:s22] =	dma.local [hbm:s4], s20  }
0x9e: {  	_ =	swait.ge [sflag:s22], s20  }
0x9f: {  	s3 =	ssub.s32 $0x0, s20;
	[sflag:s22] =	ssyncset.done $0x0  }
0xa0: {  	[sflag:s22] =	ssyncadd.s32 s3;
	_ =	sdelay $0x1  }
0xa1: {  	s23 =	simm.s32 $0x1B8B  }
0xa2: {  	_ =	swait.ge [sflag:s23], $0x1  }
0xa3: {  	[sflag:s23] =	ssyncset.done $0x0  }
0xa4: {  	s25 =	simm.s32 $0x1B8E;
	s24 =	sld [smem:$0x3FFE];
	[sflag:s23] =	ssyncadd.s32 $0xFFFFFFFF  }
0xa5: {  	s26 =	simm.s32 $execute0_lowered;
	[smem:$0x3FD2] =	sst s25  }
0xa6: {  	s4 =	sshll.u32 s26, $0x1;
	_ =	strace $0x80000046;
	[dreg:$0x1] =	wrdreg $0xFFFFFFFF  }
0xa7: {  	s28 =	simm.s32 $_size_execute0_lowered;
	s2 =	sadd.s32 s2, s4;
	[dreg:$0x0] =	wrdreg $0x0  }
0xa8: {  	s4 =	sshll.u32 s28, $0x1;
	[dreg:$0x2] =	wrdreg s2  }
0xa9: {  	[dreg:$0x3] =	wrdreg s4  }
0xaa: {  	[dreg:$0x4] =	wrdreg $0xC0  }
0xab: {  	_ =	task [dreg:s6], $0x5FFFF  }
0xac: {  	[dreg:$0x1] =	wrdreg $0xFFFFFFFF  }
0xad: {  	[dreg:$0x0] =	wrdreg $0x60  }
0xae: {  	[dreg:$0x2] =	wrdreg s24  }
0xaf: {  	[dreg:$0x3] =	wrdreg $0x9  }
0xb0: {  	_ =	task.clear_ibuf [dreg:s6], $0x4FFFF;
	_ =	strace $0x90000046  }
0xb1: {  	s29 =	simm.s32 $0x9;
	_ =	strace $0x80000048  }
0xb2: {  	_ =	swait.ge [sflag:s29], $0x1  }
0xb3: {  	[sflag:s29] =	ssyncadd.s32 $0xFFFFFFFF  }
0xb4: {  	_ =	strace $0x90000048  }
0xb5: {  	_ =	sfence  }
0xb6: {  	s30 =	sld [smem:$0x0];
	_ =	sdelay $0x2  }
0xb7: {  	s31 =	sshll.u32 s1, $0xD;
	s1 =	sshrl.u32 s1, $0x2  }
0xb8: {  	s3 =	sand.u32 $0x4000, s31;
	s1 =	sadd.s32 s1, s30  }
0xb9: {  	s0 =	sor.u32 s3, s0;
	s1 =	sshll.u32 s1, $0x11  }
0xba: {  	s0 =	sor.u32 s1, s0  }
0xbb: {  	s0 =	sadd.s32 $0x8F2B, s0  }
0xbc: {  	[sflag:s0] =	ssyncadd.remote.s32 $0x1  }
0xbd: {  	_ =	sfence.sel $0xFFFF  }
0xbe: {  	[dreg:$0x0] =	wrdreg $0xFFFFFFFF;
	(pc) =	sbr.abs _section_cstart, $3  }
0xbf: {  	[dreg:$0x1] =	wrdreg $0xFFFFFFFF  }
0xc0: {  	_ =	task.clear_ibuf [dreg:s6], $0x2FFFF;
	_ =	strace $0x9FFFFFFF  }
0xc1: {  	(tm) =	ssettm $0x7FFFFFFF  }
tec
execute0_lowered:
.L_overlay_start_1:
0x0: {  	(tag) =	ssettag $0x1  }
0x1: {  	s1 =	srdreg.scid  }
0x2: {  	s0 =	stileid.u32;
	s4 =	rddreg [dreg:$0x0]  }
0x3: {  	s2 =	simm.s32 $0x0;
	s10 =	simm.s32 $0x5900;
	s11 =	simm.s32 $0x9900  }
0x4: {  	s12 =	simm.s32 $0xD900;
	s13 =	simm.s32 $0x11900;
	s14 =	simm.s32 $0x1  }
0x5: {  	s15 =	simm.s32 $0x0;
	s5 =	sand.u32 $0x1, s1;
	s1 =	rddreg [dreg:$0x1]  }
0x6: {  	s3 =	sshll.u32 s0, $0x1;
	[smem:$0x7FF] =	sst s2;
	s7 =	smul.u32 $0x32000, s0  }
0x7: {  	s3 =	sor.u32 s5, s3;
	s8 =	ssub.s32 $0x2, s5;
	s5 =	smul.u32 $0x19000, s5  }
0x8: {  	_ =	strace $0x80000047;
	s6 =	smul.u32 $0x1900, s3;
	s9 =	sshrl.u32 s8, $0x1  }
0x9: {  	s3 =	sadd.s32 $0x2E00, s4;
	s7 =	sadd.s32 s7, s4;
	s31 =	ssub.s32 s8, s9  }
0xa: {  	s7 =	sadd.s32 s5, s7;
	s8 =	simm.s32 $0x80;
	s6 =	sshrl.u32 s6, $0x3  }
0xb: {  	s9 =	simm.s32 $0x1900;
	s5 =	smax.u32 s31, $0x1;
	s4 =	sadd.s32 s6, s4  }
0xc: {  	s6 =	sadd.s32 $0xF4B600, s7;
	s7 =	simm.s32 $0x2;
	s4 =	sadd.s32 $0xF45200, s4  }
.LBB2_1:
0xd: {  	[tilespmem:s2], [sflag:$0x2] =	stream.linear.gather [hbm4b:s4+s2], $0x1900, $0x38;
	[tilespmem:$0x15900] =	vst v63  }
0xe: {  	_ =	swait.ge [sflag:s7], $0x1900  }
0xf: {  	[sflag:s7] =	ssyncset.done $0x0  }
0x10: {  	s16 =	simm.s32 $0x0;
	[sflag:s7] =	ssyncadd.s32 $0xFFFFE700  }
0x11: {  	[tilespmem:s9], [sflag:$0x1] =	stream.indirect.gather [hbm4b:s3+s8], $0x80, s16, s8, $0xb8;
	[tilespmem:$0x15900] =	vst v63  }
0x12: {  	s28 =	simm.s32 $0x80  }
0x13: {  	[tilespmem:s10], [sflag:$0x1] =	stream.indirect.gather [hbm4b:s3+s8], $0x80, s28, s8, $0xb8;
	[tilespmem:$0x15900] =	vst v63  }
0x14: {  	s29 =	simm.s32 $0x100  }
0x15: {  	[tilespmem:s11], [sflag:$0x1] =	stream.indirect.gather [hbm4b:s3+s8], $0x80, s29, s8, $0xb8;
	[tilespmem:$0x15900] =	vst v63  }
0x16: {  	s30 =	simm.s32 $0x180  }
0x17: {  	[tilespmem:s12], [sflag:$0x1] =	stream.indirect.gather [hbm4b:s3+s8], $0x80, s30, s8, $0xb8;
	[tilespmem:$0x15900] =	vst v63  }
0x18: {  	s31 =	simm.s32 $0x200  }
0x19: {  	[tilespmem:s13], [sflag:$0x1] =	stream.indirect.gather [hbm4b:s3+s8], $0x80, s31, s8, $0xb8;
	[tilespmem:$0x15900] =	vst v63  }
0x1a: {  	_ =	swait.ge [sflag:s14], $0x4000  }
0x1b: {  	[sflag:s14] =	ssyncset.done $0x0  }
0x1c: {  	[sflag:s14] =	ssyncadd.s32 $0xFFFFC000  }
0x1d: {  	_ =	swait.ge [sflag:s14], $0x4000  }
0x1e: {  	[sflag:s14] =	ssyncset.done $0x0  }
0x1f: {  	[sflag:s14] =	ssyncadd.s32 $0xFFFFC000  }
0x20: {  	_ =	swait.ge [sflag:s14], $0x4000  }
0x21: {  	[sflag:s14] =	ssyncset.done $0x0  }
0x22: {  	[sflag:s14] =	ssyncadd.s32 $0xFFFFC000  }
0x23: {  	_ =	swait.ge [sflag:s14], $0x4000  }
0x24: {  	[sflag:s14] =	ssyncset.done $0x0  }
0x25: {  	[sflag:s14] =	ssyncadd.s32 $0xFFFFC000  }
0x26: {  	_ =	swait.ge [sflag:s14], $0x4000  }
0x27: {  	[sflag:s14] =	ssyncset.done $0x0  }
0x28: {  	[sflag:s14] =	ssyncadd.s32 $0xFFFFC000  }
0x29: {  	[hbm4b:s6+s2] =	stream.linear.scatter [tilespmem:s9], [sflag:$0x2], $0x14000, $0x38;
	[tilespmem:$0x15900] =	vst v63  }
0x2a: {  	s17 =	simm.s32 $0xA00;
	_ =	swait.ge [sflag:s7], $0x14000  }
0x2b: {  	s18 =	simm.s32 $0x1400;
	s16 =	sadd.s32 $0x2800, s6;
	[sflag:s7] =	ssyncset.done $0x0  }
.LBB2_2:
0x2c: {  	s19 =	sshra.s32 s17, $0x2  }
0x2d: {  	[sflag:s7] =	ssyncadd.s32 $0xFFFEC000;
	s17 =	smov.u32 s18;
	s20 =	sadd.s32 $0xA00, s18  }
0x2e: {  	[tilespmem:s9], [sflag:$0x1] =	stream.indirect.gather [hbm4b:s3+s8], $0x80, s19, s8, $0xb8;
	[tilespmem:$0x15900] =	vst v63  }
0x2f: {  	p0 =	sne.s32 s18, $0x5A00;
	s18 =	sadd.s32 $0x80, s19  }
0x30: {  	[tilespmem:s10], [sflag:$0x1] =	stream.indirect.gather [hbm4b:s3+s8], $0x80, s18, s8, $0xb8;
	[tilespmem:$0x15900] =	vst v63  }
0x31: {  	s18 =	sadd.s32 $0x100, s19  }
0x32: {  	[tilespmem:s11], [sflag:$0x1] =	stream.indirect.gather [hbm4b:s3+s8], $0x80, s18, s8, $0xb8;
	[tilespmem:$0x15900] =	vst v63  }
0x33: {  	s18 =	sadd.s32 $0x180, s19  }
0x34: {  	[tilespmem:s12], [sflag:$0x1] =	stream.indirect.gather [hbm4b:s3+s8], $0x80, s18, s8, $0xb8;
	[tilespmem:$0x15900] =	vst v63  }
0x35: {  	s18 =	sadd.s32 $0x200, s19  }
0x36: {  	[tilespmem:s13], [sflag:$0x1] =	stream.indirect.gather [hbm4b:s3+s8], $0x80, s18, s8, $0xb8;
	[tilespmem:$0x15900] =	vst v63  }
0x37: {  	_ =	swait.ge [sflag:s14], $0x4000  }
0x38: {  	[sflag:s14] =	ssyncset.done $0x0  }
0x39: {  	[sflag:s14] =	ssyncadd.s32 $0xFFFFC000  }
0x3a: {  	_ =	swait.ge [sflag:s14], $0x4000  }
0x3b: {  	[sflag:s14] =	ssyncset.done $0x0  }
0x3c: {  	[sflag:s14] =	ssyncadd.s32 $0xFFFFC000  }
0x3d: {  	_ =	swait.ge [sflag:s14], $0x4000  }
0x3e: {  	[sflag:s14] =	ssyncset.done $0x0  }
0x3f: {  	[sflag:s14] =	ssyncadd.s32 $0xFFFFC000  }
0x40: {  	_ =	swait.ge [sflag:s14], $0x4000  }
0x41: {  	[sflag:s14] =	ssyncset.done $0x0  }
0x42: {  	[sflag:s14] =	ssyncadd.s32 $0xFFFFC000  }
0x43: {  	_ =	swait.ge [sflag:s14], $0x4000  }
.Ltmp0:
0x44: {  	[sflag:s14] =	ssyncset.done $0x0;
	(pc) =	sbr.rel @p0 .LBB2_2-.Ltmp0, $4  }
0x45: {  	[sflag:s14] =	ssyncadd.s32 $0xFFFFC000  }
0x46: {  	[hbm4b:s16+s2] =	stream.linear.scatter [tilespmem:s9], [sflag:$0x2], $0x14000, $0x38;
	[tilespmem:$0x15900] =	vst v63  }
0x47: {  	_ =	swait.ge [sflag:s7], $0x14000  }
0x48: {  	s18 =	smov.u32 s20;
	s16 =	sadd.s32 $0x2800, s16;
	[sflag:s7] =	ssyncset.done $0x0  }
0x49: {  	s17 =	sshra.s32 s17, $0x2;
	[sflag:s7] =	ssyncadd.s32 $0xFFFEC000  }
0x4a: {  	[tilespmem:s9], [sflag:$0x1] =	stream.indirect.gather [hbm4b:s3+s8], $0x80, s17, s8, $0xb8;
	[tilespmem:$0x15900] =	vst v63  }
0x4b: {  	s18 =	sadd.s32 $0x80, s17  }
0x4c: {  	[tilespmem:s10], [sflag:$0x1] =	stream.indirect.gather [hbm4b:s3+s8], $0x80, s18, s8, $0xb8;
	[tilespmem:$0x15900] =	vst v63  }
0x4d: {  	s30 =	sadd.s32 $0x100, s17  }
0x4e: {  	[tilespmem:s11], [sflag:$0x1] =	stream.indirect.gather [hbm4b:s3+s8], $0x80, s30, s8, $0xb8;
	[tilespmem:$0x15900] =	vst v63  }
0x4f: {  	s31 =	sadd.s32 $0x180, s17  }
0x50: {  	[tilespmem:s12], [sflag:$0x1] =	stream.indirect.gather [hbm4b:s3+s8], $0x80, s31, s8, $0xb8;
	[tilespmem:$0x15900] =	vst v63  }
0x51: {  	s17 =	sadd.s32 $0x200, s17  }
0x52: {  	[tilespmem:s13], [sflag:$0x1] =	stream.indirect.gather [hbm4b:s3+s8], $0x80, s17, s8, $0xb8;
	[tilespmem:$0x15900] =	vst v63  }
0x53: {  	_ =	swait.ge [sflag:s14], $0x4000  }
0x54: {  	[sflag:s14] =	ssyncset.done $0x0  }
0x55: {  	[sflag:s14] =	ssyncadd.s32 $0xFFFFC000  }
0x56: {  	_ =	swait.ge [sflag:s14], $0x4000  }
0x57: {  	[sflag:s14] =	ssyncset.done $0x0  }
0x58: {  	[sflag:s14] =	ssyncadd.s32 $0xFFFFC000  }
0x59: {  	_ =	swait.ge [sflag:s14], $0x4000  }
0x5a: {  	[sflag:s14] =	ssyncset.done $0x0  }
0x5b: {  	[sflag:s14] =	ssyncadd.s32 $0xFFFFC000  }
0x5c: {  	_ =	swait.ge [sflag:s14], $0x4000  }
0x5d: {  	[sflag:s14] =	ssyncset.done $0x0  }
0x5e: {  	[sflag:s14] =	ssyncadd.s32 $0xFFFFC000  }
0x5f: {  	s15 =	sadd.s32 $0x1, s15;
	_ =	swait.ge [sflag:s14], $0x4000  }
0x60: {  	p0 =	sne.s32 s15, s5;
	[sflag:s14] =	ssyncset.done $0x0  }
.Ltmp1:
0x61: {  	[sflag:s14] =	ssyncadd.s32 $0xFFFFC000;
	(pc) =	sbr.rel @p0 .LBB2_1-.Ltmp1, $4  }
0x62: {  	[hbm4b:s16+s2] =	stream.linear.scatter [tilespmem:s9], [sflag:$0x2], $0x14000, $0x38;
	[tilespmem:$0x15900] =	vst v63  }
0x63: {  	_ =	swait.ge [sflag:s7], $0x14000  }
0x64: {  	[sflag:s7] =	ssyncset.done $0x0  }
0x65: {  	[sflag:s7] =	ssyncadd.s32 $0xFFFEC000  }
0x66: {  	_ =	sfence.sel $0x180000  }
0x67: {  	[bflag:$0x0] =	sbarrier.arrive $0xFFFF  }
0x68: {  	p0 =	sne.s32 s0, $0x0;
	_ =	strace $0x90000047  }
0x69: {  	s0 =	sadd.s32 @!p0 $0x100000, s1;
	[bflag:$0x2] =	sbarrier.arrive $0xFFFF  }
0x6a: {  	[sflag:s0] =	ssyncadd.tile.s32 @!p0 $0x1;
	_ =	shalt  }
.Lfunc_end2:
_tile_overlayer_lowered:
.L_overlay_start_2:
0x6b: {  	(tag) =	ssettag $0x2  }
0x6c: {  	s0 =	rddreg [dreg:$0x0];
	s2 =	stileid.u32  }
0x6d: {  	s1 =	rddreg [dreg:$0x1];
	p0 =	sne.s32 s2, $0x0  }
0x6e: {  	s3 =	rddreg [dreg:$0x2];
	[bflag:$0x3] =	sbarrier.arrive $0xFFFF;
	s2 =	simm.s32 @!p0 $0x1C02  }
0x6f: {  	[timem:s3], [sflag:s2] =	dma.local @!p0 [hbm:s0], s1  }
0x70: {  	s0 =	simm.s32 @!p0 $0x2  }
0x71: {  	_ =	swait.ge @!p0 [sflag:s0], s1  }
0x72: {  	s1 =	ssub.s32 @!p0 $0x0, s1;
	[sflag:s0] =	ssyncset.done @!p0 $0x0  }
0x73: {  	[sflag:s0] =	ssyncadd.s32 @!p0 s1  }
0x74: {  	[bflag:$0x3] =	sbarrier.arrive $0xFFFF  }
0x75: {  	_ =	shalt  }

</sc_bundles>
